<compile_context>
chip_gen: v7x
topology: tpu7x:2x2x1
jax: 0.10.2.dev20260603
libtpu: 0.0.44.dev20260713+nightly
codegen_flags: <defaults>
</compile_context>

<pallas_src>
import jax
import jax.numpy as jnp
from jax.experimental import pallas as pl

N, C, K = 1024, 12, 3
D = 5000
ROWS = N * C
BLOCK_ROWS = 192


def _rotl(v, d):
    return jax.lax.shift_left(v, jnp.uint32(d)) | jax.lax.shift_right_logical(
        v, jnp.uint32(32 - d))


def _threefry_bits(j):
    k1 = jnp.uint32(0)
    k2 = jnp.uint32(42)
    ks = (k1, k2, k1 ^ k2 ^ jnp.uint32(0x1BD11BDA))
    rot = ((13, 15, 26, 6), (17, 29, 16, 24))
    x0 = jnp.zeros_like(j) + ks[0]
    x1 = j + ks[1]
    for i in range(5):
        for r in rot[i % 2]:
            x0 = x0 + x1
            x1 = _rotl(x1, r)
            x1 = x1 ^ x0
        x0 = x0 + ks[(i + 1) % 3]
        x1 = x1 + ks[(i + 2) % 3] + jnp.uint32(i + 1)
    return x0 ^ x1


def _mask_kernel_body(x_ref, o_ref):
    i = pl.program_id(0)
    rb = x_ref.shape[0]
    rr = jax.lax.broadcasted_iota(jnp.uint32, (rb, C), 0)
    cc = jax.lax.broadcasted_iota(jnp.uint32, (rb, C), 1)
    j0 = (i * rb).astype(jnp.uint32)
    group_base = (j0 + rr) // jnp.uint32(C) * jnp.uint32(C)
    bits = _threefry_bits(group_base + cc)
    v = jax.lax.shift_right_logical(bits, jnp.uint32(9)).astype(jnp.int32)
    c_self = ((j0 + rr) % jnp.uint32(C)).astype(jnp.int32)
    cc_i = cc.astype(jnp.int32)
    self_sel = cc_i == c_self
    v_self = jnp.max(jnp.where(self_sel, v, jnp.int32(-1)), axis=1, keepdims=True)
    lt = (v < v_self) | ((v == v_self) & (cc_i < c_self))
    rank = jnp.sum(lt.astype(jnp.int32), axis=1, keepdims=True)
    keep = (rank >= K).astype(jnp.float32)
    o_ref[...] = x_ref[...] * keep


def kernel(x):
    x2 = x.reshape(ROWS, D)
    out = pl.pallas_call(
        _mask_kernel_body,
        grid=(ROWS // BLOCK_ROWS,),
        in_specs=[pl.BlockSpec((BLOCK_ROWS, D), lambda i: (i, 0))],
        out_specs=pl.BlockSpec((BLOCK_ROWS, D), lambda i: (i, 0)),
        out_shape=jax.ShapeDtypeStruct((ROWS, D), x.dtype),
    )(x2)
    return out.reshape(N, C, D)

# --- scband reference (transcript-rebuilt; emitter-appended) ---
"""Pipeline reference for scband-random-channel-mask-27084063769079 (READ-ONLY COPY).

The authoritative reference and input builder live on the scoring server;
editing this copy changes nothing except your own understanding.
"""

import jax, jax.numpy as jnp
import numpy as np

P = 0.25

def setup_inputs(seed: int = 0) -> dict:
    key = jax.random.key(seed)
    x = jax.random.normal(key, (1024, 12, 5000), dtype=jnp.float32)
    return {"x": x}

def _get_mask(N, C, k):
    # Faithful to torch.multinomial(torch.ones(N, C), k): for each of the N rows,
    # sample k distinct channel indices uniformly without replacement, then build
    # a boolean [N, C] mask via scatter-overwrite.
    key = jax.random.key(42)
    noise = jax.random.uniform(key, (N, C))
    channels = jnp.argsort(noise, axis=1)[:, :k]  # k distinct channels per row
    rows = jnp.arange(N)[:, None]
    mask = jnp.zeros((N, C), dtype=bool).at[rows, channels].set(True)
    return mask

def reference(x):
    N, C = x.shape[0], x.shape[1]
    k = int(P * C)
    mask = _get_mask(N, C, k)
    # torch does x[mask] = 0 in-place; functional equivalent: zero masked channels
    return jnp.where(mask[:, :, None], jnp.zeros((), dtype=x.dtype), x)

if __name__ == "__main__":
    import jax
    _d = setup_inputs()
    print(jax.jit(kernel)(*tuple(_d.values())))

</pallas_src>

<mosaic_0001>
module attributes {stable_mosaic.version = 14 : i64} {
  func.func @_mask_kernel_body(%arg0: i32, %arg1: memref<192x5000xf32, #tpu.memory_space<vmem>>, %arg2: memref<192x5000xf32, #tpu.memory_space<vmem>>) attributes {dimension_semantics = [#tpu.dimension_semantics<arbitrary>], iteration_bounds = array<i64: 64>, scalar_prefetch = 0 : i64, scratch_operands = 0 : i64, tpu.core_type = #tpu.core_type<tc>, window_params = [{transform_indices = @transform_0, window_bounds = array<i64: 192, 5000>}, {transform_indices = @transform_1, window_bounds = array<i64: 192, 5000>}]} {
    %iota3A = tpu.iota {dimensions = array<i32: 0>} : vector<192x12xi32>
    %iota3A_0 = tpu.iota {dimensions = array<i32: 1>} : vector<192x12xi32>
    %mul3A = arith.constant 192 : i32
    %mul3A_1 = arith.muli %arg0, %mul3A : i32
    %add3A = vector.broadcast %mul3A_1 : i32 to vector<192x12xi32>
    %add3A_2 = arith.addi %add3A, %iota3A : vector<192x12xi32>
    %jit3A = arith.constant 12 : i32
    %div3A = vector.broadcast %jit3A : i32 to vector<192x12xi32>
    %div3A_3 = arith.divui %add3A_2, %div3A : vector<192x12xi32>
    %mul3A_4 = arith.constant 12 : i32
    %mul3A_5 = vector.broadcast %mul3A_4 : i32 to vector<192x12xi32>
    %mul3A_6 = arith.muli %div3A_3, %mul3A_5 : vector<192x12xi32>
    %add3A_7 = arith.addi %mul3A_6, %iota3A_0 : vector<192x12xi32>
    %xor3A = arith.constant 0 : i32
    %xor3A_8 = arith.constant 42 : i32
    %xor3A_9 = arith.xori %xor3A, %xor3A_8 : i32
    %xor3A_10 = arith.constant 466688986 : i32
    %xor3A_11 = arith.xori %xor3A_9, %xor3A_10 : i32
    %broadcast_in_dim3A = arith.constant 0 : i32
    %broadcast_in_dim3A_12 = vector.broadcast %broadcast_in_dim3A : i32 to vector<192x12xi32>
    %add3A_13 = arith.constant 0 : i32
    %add3A_14 = vector.broadcast %add3A_13 : i32 to vector<192x12xi32>
    %add3A_15 = arith.addi %broadcast_in_dim3A_12, %add3A_14 : vector<192x12xi32>
    %add3A_16 = arith.constant 42 : i32
    %add3A_17 = vector.broadcast %add3A_16 : i32 to vector<192x12xi32>
    %add3A_18 = arith.addi %add3A_7, %add3A_17 : vector<192x12xi32>
    %add3A_19 = arith.addi %add3A_15, %add3A_18 : vector<192x12xi32>
    %shift_left3A = arith.constant 13 : i32
    %shift_left3A_20 = vector.broadcast %shift_left3A : i32 to vector<192x12xi32>
    %shift_left3A_21 = arith.shli %add3A_18, %shift_left3A_20 : vector<192x12xi32>
    %shift_right_logical3A = arith.constant 19 : i32
    %shift_right_logical3A_22 = vector.broadcast %shift_right_logical3A : i32 to vector<192x12xi32>
    %shift_right_logical3A_23 = arith.shrui %add3A_18, %shift_right_logical3A_22 : vector<192x12xi32>
    %or3A = arith.ori %shift_left3A_21, %shift_right_logical3A_23 : vector<192x12xi32>
    %xor3A_24 = arith.xori %or3A, %add3A_19 : vector<192x12xi32>
    %add3A_25 = arith.addi %add3A_19, %xor3A_24 : vector<192x12xi32>
    %shift_left3A_26 = arith.constant 15 : i32
    %shift_left3A_27 = vector.broadcast %shift_left3A_26 : i32 to vector<192x12xi32>
    %shift_left3A_28 = arith.shli %xor3A_24, %shift_left3A_27 : vector<192x12xi32>
    %shift_right_logical3A_29 = arith.constant 17 : i32
    %shift_right_logical3A_30 = vector.broadcast %shift_right_logical3A_29 : i32 to vector<192x12xi32>
    %shift_right_logical3A_31 = arith.shrui %xor3A_24, %shift_right_logical3A_30 : vector<192x12xi32>
    %or3A_32 = arith.ori %shift_left3A_28, %shift_right_logical3A_31 : vector<192x12xi32>
    %xor3A_33 = arith.xori %or3A_32, %add3A_25 : vector<192x12xi32>
    %add3A_34 = arith.addi %add3A_25, %xor3A_33 : vector<192x12xi32>
    %shift_left3A_35 = arith.constant 26 : i32
    %shift_left3A_36 = vector.broadcast %shift_left3A_35 : i32 to vector<192x12xi32>
    %shift_left3A_37 = arith.shli %xor3A_33, %shift_left3A_36 : vector<192x12xi32>
    %shift_right_logical3A_38 = arith.constant 6 : i32
    %shift_right_logical3A_39 = vector.broadcast %shift_right_logical3A_38 : i32 to vector<192x12xi32>
    %shift_right_logical3A_40 = arith.shrui %xor3A_33, %shift_right_logical3A_39 : vector<192x12xi32>
    %or3A_41 = arith.ori %shift_left3A_37, %shift_right_logical3A_40 : vector<192x12xi32>
    %xor3A_42 = arith.xori %or3A_41, %add3A_34 : vector<192x12xi32>
    %add3A_43 = arith.addi %add3A_34, %xor3A_42 : vector<192x12xi32>
    %shift_left3A_44 = arith.constant 6 : i32
    %shift_left3A_45 = vector.broadcast %shift_left3A_44 : i32 to vector<192x12xi32>
    %shift_left3A_46 = arith.shli %xor3A_42, %shift_left3A_45 : vector<192x12xi32>
    %shift_right_logical3A_47 = arith.constant 26 : i32
    %shift_right_logical3A_48 = vector.broadcast %shift_right_logical3A_47 : i32 to vector<192x12xi32>
    %shift_right_logical3A_49 = arith.shrui %xor3A_42, %shift_right_logical3A_48 : vector<192x12xi32>
    %or3A_50 = arith.ori %shift_left3A_46, %shift_right_logical3A_49 : vector<192x12xi32>
    %xor3A_51 = arith.xori %or3A_50, %add3A_43 : vector<192x12xi32>
    %add3A_52 = arith.constant 42 : i32
    %add3A_53 = vector.broadcast %add3A_52 : i32 to vector<192x12xi32>
    %add3A_54 = arith.addi %add3A_43, %add3A_53 : vector<192x12xi32>
    %add3A_55 = vector.broadcast %xor3A_11 : i32 to vector<192x12xi32>
    %add3A_56 = arith.addi %xor3A_51, %add3A_55 : vector<192x12xi32>
    %add3A_57 = arith.constant 1 : i32
    %add3A_58 = vector.broadcast %add3A_57 : i32 to vector<192x12xi32>
    %add3A_59 = arith.addi %add3A_56, %add3A_58 : vector<192x12xi32>
    %add3A_60 = arith.addi %add3A_54, %add3A_59 : vector<192x12xi32>
    %shift_left3A_61 = arith.constant 17 : i32
    %shift_left3A_62 = vector.broadcast %shift_left3A_61 : i32 to vector<192x12xi32>
    %shift_left3A_63 = arith.shli %add3A_59, %shift_left3A_62 : vector<192x12xi32>
    %shift_right_logical3A_64 = arith.constant 15 : i32
    %shift_right_logical3A_65 = vector.broadcast %shift_right_logical3A_64 : i32 to vector<192x12xi32>
    %shift_right_logical3A_66 = arith.shrui %add3A_59, %shift_right_logical3A_65 : vector<192x12xi32>
    %or3A_67 = arith.ori %shift_left3A_63, %shift_right_logical3A_66 : vector<192x12xi32>
    %xor3A_68 = arith.xori %or3A_67, %add3A_60 : vector<192x12xi32>
    %add3A_69 = arith.addi %add3A_60, %xor3A_68 : vector<192x12xi32>
    %shift_left3A_70 = arith.constant 29 : i32
    %shift_left3A_71 = vector.broadcast %shift_left3A_70 : i32 to vector<192x12xi32>
    %shift_left3A_72 = arith.shli %xor3A_68, %shift_left3A_71 : vector<192x12xi32>
    %shift_right_logical3A_73 = arith.constant 3 : i32
    %shift_right_logical3A_74 = vector.broadcast %shift_right_logical3A_73 : i32 to vector<192x12xi32>
    %shift_right_logical3A_75 = arith.shrui %xor3A_68, %shift_right_logical3A_74 : vector<192x12xi32>
    %or3A_76 = arith.ori %shift_left3A_72, %shift_right_logical3A_75 : vector<192x12xi32>
    %xor3A_77 = arith.xori %or3A_76, %add3A_69 : vector<192x12xi32>
    %add3A_78 = arith.addi %add3A_69, %xor3A_77 : vector<192x12xi32>
    %shift_left3A_79 = arith.constant 16 : i32
    %shift_left3A_80 = vector.broadcast %shift_left3A_79 : i32 to vector<192x12xi32>
    %shift_left3A_81 = arith.shli %xor3A_77, %shift_left3A_80 : vector<192x12xi32>
    %shift_right_logical3A_82 = arith.constant 16 : i32
    %shift_right_logical3A_83 = vector.broadcast %shift_right_logical3A_82 : i32 to vector<192x12xi32>
    %shift_right_logical3A_84 = arith.shrui %xor3A_77, %shift_right_logical3A_83 : vector<192x12xi32>
    %or3A_85 = arith.ori %shift_left3A_81, %shift_right_logical3A_84 : vector<192x12xi32>
    %xor3A_86 = arith.xori %or3A_85, %add3A_78 : vector<192x12xi32>
    %add3A_87 = arith.addi %add3A_78, %xor3A_86 : vector<192x12xi32>
    %shift_left3A_88 = arith.constant 24 : i32
    %shift_left3A_89 = vector.broadcast %shift_left3A_88 : i32 to vector<192x12xi32>
    %shift_left3A_90 = arith.shli %xor3A_86, %shift_left3A_89 : vector<192x12xi32>
    %shift_right_logical3A_91 = arith.constant 8 : i32
    %shift_right_logical3A_92 = vector.broadcast %shift_right_logical3A_91 : i32 to vector<192x12xi32>
    %shift_right_logical3A_93 = arith.shrui %xor3A_86, %shift_right_logical3A_92 : vector<192x12xi32>
    %or3A_94 = arith.ori %shift_left3A_90, %shift_right_logical3A_93 : vector<192x12xi32>
    %xor3A_95 = arith.xori %or3A_94, %add3A_87 : vector<192x12xi32>
    %add3A_96 = vector.broadcast %xor3A_11 : i32 to vector<192x12xi32>
    %add3A_97 = arith.addi %add3A_87, %add3A_96 : vector<192x12xi32>
    %add3A_98 = arith.constant 0 : i32
    %add3A_99 = vector.broadcast %add3A_98 : i32 to vector<192x12xi32>
    %add3A_100 = arith.addi %xor3A_95, %add3A_99 : vector<192x12xi32>
    %add3A_101 = arith.constant 2 : i32
    %add3A_102 = vector.broadcast %add3A_101 : i32 to vector<192x12xi32>
    %add3A_103 = arith.addi %add3A_100, %add3A_102 : vector<192x12xi32>
    %add3A_104 = arith.addi %add3A_97, %add3A_103 : vector<192x12xi32>
    %shift_left3A_105 = arith.constant 13 : i32
    %shift_left3A_106 = vector.broadcast %shift_left3A_105 : i32 to vector<192x12xi32>
    %shift_left3A_107 = arith.shli %add3A_103, %shift_left3A_106 : vector<192x12xi32>
    %shift_right_logical3A_108 = arith.constant 19 : i32
    %shift_right_logical3A_109 = vector.broadcast %shift_right_logical3A_108 : i32 to vector<192x12xi32>
    %shift_right_logical3A_110 = arith.shrui %add3A_103, %shift_right_logical3A_109 : vector<192x12xi32>
    %or3A_111 = arith.ori %shift_left3A_107, %shift_right_logical3A_110 : vector<192x12xi32>
    %xor3A_112 = arith.xori %or3A_111, %add3A_104 : vector<192x12xi32>
    %add3A_113 = arith.addi %add3A_104, %xor3A_112 : vector<192x12xi32>
    %shift_left3A_114 = arith.constant 15 : i32
    %shift_left3A_115 = vector.broadcast %shift_left3A_114 : i32 to vector<192x12xi32>
    %shift_left3A_116 = arith.shli %xor3A_112, %shift_left3A_115 : vector<192x12xi32>
    %shift_right_logical3A_117 = arith.constant 17 : i32
    %shift_right_logical3A_118 = vector.broadcast %shift_right_logical3A_117 : i32 to vector<192x12xi32>
    %shift_right_logical3A_119 = arith.shrui %xor3A_112, %shift_right_logical3A_118 : vector<192x12xi32>
    %or3A_120 = arith.ori %shift_left3A_116, %shift_right_logical3A_119 : vector<192x12xi32>
    %xor3A_121 = arith.xori %or3A_120, %add3A_113 : vector<192x12xi32>
    %add3A_122 = arith.addi %add3A_113, %xor3A_121 : vector<192x12xi32>
    %shift_left3A_123 = arith.constant 26 : i32
    %shift_left3A_124 = vector.broadcast %shift_left3A_123 : i32 to vector<192x12xi32>
    %shift_left3A_125 = arith.shli %xor3A_121, %shift_left3A_124 : vector<192x12xi32>
    %shift_right_logical3A_126 = arith.constant 6 : i32
    %shift_right_logical3A_127 = vector.broadcast %shift_right_logical3A_126 : i32 to vector<192x12xi32>
    %shift_right_logical3A_128 = arith.shrui %xor3A_121, %shift_right_logical3A_127 : vector<192x12xi32>
    %or3A_129 = arith.ori %shift_left3A_125, %shift_right_logical3A_128 : vector<192x12xi32>
    %xor3A_130 = arith.xori %or3A_129, %add3A_122 : vector<192x12xi32>
    %add3A_131 = arith.addi %add3A_122, %xor3A_130 : vector<192x12xi32>
    %shift_left3A_132 = arith.constant 6 : i32
    %shift_left3A_133 = vector.broadcast %shift_left3A_132 : i32 to vector<192x12xi32>
    %shift_left3A_134 = arith.shli %xor3A_130, %shift_left3A_133 : vector<192x12xi32>
    %shift_right_logical3A_135 = arith.constant 26 : i32
    %shift_right_logical3A_136 = vector.broadcast %shift_right_logical3A_135 : i32 to vector<192x12xi32>
    %shift_right_logical3A_137 = arith.shrui %xor3A_130, %shift_right_logical3A_136 : vector<192x12xi32>
    %or3A_138 = arith.ori %shift_left3A_134, %shift_right_logical3A_137 : vector<192x12xi32>
    %xor3A_139 = arith.xori %or3A_138, %add3A_131 : vector<192x12xi32>
    %add3A_140 = arith.constant 0 : i32
    %add3A_141 = vector.broadcast %add3A_140 : i32 to vector<192x12xi32>
    %add3A_142 = arith.addi %add3A_131, %add3A_141 : vector<192x12xi32>
    %add3A_143 = arith.constant 42 : i32
    %add3A_144 = vector.broadcast %add3A_143 : i32 to vector<192x12xi32>
    %add3A_145 = arith.addi %xor3A_139, %add3A_144 : vector<192x12xi32>
    %add3A_146 = arith.constant 3 : i32
    %add3A_147 = vector.broadcast %add3A_146 : i32 to vector<192x12xi32>
    %add3A_148 = arith.addi %add3A_145, %add3A_147 : vector<192x12xi32>
    %add3A_149 = arith.addi %add3A_142, %add3A_148 : vector<192x12xi32>
    %shift_left3A_150 = arith.constant 17 : i32
    %shift_left3A_151 = vector.broadcast %shift_left3A_150 : i32 to vector<192x12xi32>
    %shift_left3A_152 = arith.shli %add3A_148, %shift_left3A_151 : vector<192x12xi32>
    %shift_right_logical3A_153 = arith.constant 15 : i32
    %shift_right_logical3A_154 = vector.broadcast %shift_right_logical3A_153 : i32 to vector<192x12xi32>
    %shift_right_logical3A_155 = arith.shrui %add3A_148, %shift_right_logical3A_154 : vector<192x12xi32>
    %or3A_156 = arith.ori %shift_left3A_152, %shift_right_logical3A_155 : vector<192x12xi32>
    %xor3A_157 = arith.xori %or3A_156, %add3A_149 : vector<192x12xi32>
    %add3A_158 = arith.addi %add3A_149, %xor3A_157 : vector<192x12xi32>
    %shift_left3A_159 = arith.constant 29 : i32
    %shift_left3A_160 = vector.broadcast %shift_left3A_159 : i32 to vector<192x12xi32>
    %shift_left3A_161 = arith.shli %xor3A_157, %shift_left3A_160 : vector<192x12xi32>
    %shift_right_logical3A_162 = arith.constant 3 : i32
    %shift_right_logical3A_163 = vector.broadcast %shift_right_logical3A_162 : i32 to vector<192x12xi32>
    %shift_right_logical3A_164 = arith.shrui %xor3A_157, %shift_right_logical3A_163 : vector<192x12xi32>
    %or3A_165 = arith.ori %shift_left3A_161, %shift_right_logical3A_164 : vector<192x12xi32>
    %xor3A_166 = arith.xori %or3A_165, %add3A_158 : vector<192x12xi32>
    %add3A_167 = arith.addi %add3A_158, %xor3A_166 : vector<192x12xi32>
    %shift_left3A_168 = arith.constant 16 : i32
    %shift_left3A_169 = vector.broadcast %shift_left3A_168 : i32 to vector<192x12xi32>
    %shift_left3A_170 = arith.shli %xor3A_166, %shift_left3A_169 : vector<192x12xi32>
    %shift_right_logical3A_171 = arith.constant 16 : i32
    %shift_right_logical3A_172 = vector.broadcast %shift_right_logical3A_171 : i32 to vector<192x12xi32>
    %shift_right_logical3A_173 = arith.shrui %xor3A_166, %shift_right_logical3A_172 : vector<192x12xi32>
    %or3A_174 = arith.ori %shift_left3A_170, %shift_right_logical3A_173 : vector<192x12xi32>
    %xor3A_175 = arith.xori %or3A_174, %add3A_167 : vector<192x12xi32>
    %add3A_176 = arith.addi %add3A_167, %xor3A_175 : vector<192x12xi32>
    %shift_left3A_177 = arith.constant 24 : i32
    %shift_left3A_178 = vector.broadcast %shift_left3A_177 : i32 to vector<192x12xi32>
    %shift_left3A_179 = arith.shli %xor3A_175, %shift_left3A_178 : vector<192x12xi32>
    %shift_right_logical3A_180 = arith.constant 8 : i32
    %shift_right_logical3A_181 = vector.broadcast %shift_right_logical3A_180 : i32 to vector<192x12xi32>
    %shift_right_logical3A_182 = arith.shrui %xor3A_175, %shift_right_logical3A_181 : vector<192x12xi32>
    %or3A_183 = arith.ori %shift_left3A_179, %shift_right_logical3A_182 : vector<192x12xi32>
    %xor3A_184 = arith.xori %or3A_183, %add3A_176 : vector<192x12xi32>
    %add3A_185 = arith.constant 42 : i32
    %add3A_186 = vector.broadcast %add3A_185 : i32 to vector<192x12xi32>
    %add3A_187 = arith.addi %add3A_176, %add3A_186 : vector<192x12xi32>
    %add3A_188 = vector.broadcast %xor3A_11 : i32 to vector<192x12xi32>
    %add3A_189 = arith.addi %xor3A_184, %add3A_188 : vector<192x12xi32>
    %add3A_190 = arith.constant 4 : i32
    %add3A_191 = vector.broadcast %add3A_190 : i32 to vector<192x12xi32>
    %add3A_192 = arith.addi %add3A_189, %add3A_191 : vector<192x12xi32>
    %add3A_193 = arith.addi %add3A_187, %add3A_192 : vector<192x12xi32>
    %shift_left3A_194 = arith.constant 13 : i32
    %shift_left3A_195 = vector.broadcast %shift_left3A_194 : i32 to vector<192x12xi32>
    %shift_left3A_196 = arith.shli %add3A_192, %shift_left3A_195 : vector<192x12xi32>
    %shift_right_logical3A_197 = arith.constant 19 : i32
    %shift_right_logical3A_198 = vector.broadcast %shift_right_logical3A_197 : i32 to vector<192x12xi32>
    %shift_right_logical3A_199 = arith.shrui %add3A_192, %shift_right_logical3A_198 : vector<192x12xi32>
    %or3A_200 = arith.ori %shift_left3A_196, %shift_right_logical3A_199 : vector<192x12xi32>
    %xor3A_201 = arith.xori %or3A_200, %add3A_193 : vector<192x12xi32>
    %add3A_202 = arith.addi %add3A_193, %xor3A_201 : vector<192x12xi32>
    %shift_left3A_203 = arith.constant 15 : i32
    %shift_left3A_204 = vector.broadcast %shift_left3A_203 : i32 to vector<192x12xi32>
    %shift_left3A_205 = arith.shli %xor3A_201, %shift_left3A_204 : vector<192x12xi32>
    %shift_right_logical3A_206 = arith.constant 17 : i32
    %shift_right_logical3A_207 = vector.broadcast %shift_right_logical3A_206 : i32 to vector<192x12xi32>
    %shift_right_logical3A_208 = arith.shrui %xor3A_201, %shift_right_logical3A_207 : vector<192x12xi32>
    %or3A_209 = arith.ori %shift_left3A_205, %shift_right_logical3A_208 : vector<192x12xi32>
    %xor3A_210 = arith.xori %or3A_209, %add3A_202 : vector<192x12xi32>
    %add3A_211 = arith.addi %add3A_202, %xor3A_210 : vector<192x12xi32>
    %shift_left3A_212 = arith.constant 26 : i32
    %shift_left3A_213 = vector.broadcast %shift_left3A_212 : i32 to vector<192x12xi32>
    %shift_left3A_214 = arith.shli %xor3A_210, %shift_left3A_213 : vector<192x12xi32>
    %shift_right_logical3A_215 = arith.constant 6 : i32
    %shift_right_logical3A_216 = vector.broadcast %shift_right_logical3A_215 : i32 to vector<192x12xi32>
    %shift_right_logical3A_217 = arith.shrui %xor3A_210, %shift_right_logical3A_216 : vector<192x12xi32>
    %or3A_218 = arith.ori %shift_left3A_214, %shift_right_logical3A_217 : vector<192x12xi32>
    %xor3A_219 = arith.xori %or3A_218, %add3A_211 : vector<192x12xi32>
    %add3A_220 = arith.addi %add3A_211, %xor3A_219 : vector<192x12xi32>
    %shift_left3A_221 = arith.constant 6 : i32
    %shift_left3A_222 = vector.broadcast %shift_left3A_221 : i32 to vector<192x12xi32>
    %shift_left3A_223 = arith.shli %xor3A_219, %shift_left3A_222 : vector<192x12xi32>
    %shift_right_logical3A_224 = arith.constant 26 : i32
    %shift_right_logical3A_225 = vector.broadcast %shift_right_logical3A_224 : i32 to vector<192x12xi32>
    %shift_right_logical3A_226 = arith.shrui %xor3A_219, %shift_right_logical3A_225 : vector<192x12xi32>
    %or3A_227 = arith.ori %shift_left3A_223, %shift_right_logical3A_226 : vector<192x12xi32>
    %xor3A_228 = arith.xori %or3A_227, %add3A_220 : vector<192x12xi32>
    %add3A_229 = vector.broadcast %xor3A_11 : i32 to vector<192x12xi32>
    %add3A_230 = arith.addi %add3A_220, %add3A_229 : vector<192x12xi32>
    %add3A_231 = arith.constant 0 : i32
    %add3A_232 = vector.broadcast %add3A_231 : i32 to vector<192x12xi32>
    %add3A_233 = arith.addi %xor3A_228, %add3A_232 : vector<192x12xi32>
    %add3A_234 = arith.constant 5 : i32
    %add3A_235 = vector.broadcast %add3A_234 : i32 to vector<192x12xi32>
    %add3A_236 = arith.addi %add3A_233, %add3A_235 : vector<192x12xi32>
    %xor3A_237 = arith.xori %add3A_230, %add3A_236 : vector<192x12xi32>
    %shift_right_logical3A_238 = arith.constant 9 : i32
    %shift_right_logical3A_239 = vector.broadcast %shift_right_logical3A_238 : i32 to vector<192x12xi32>
    %shift_right_logical3A_240 = arith.shrui %xor3A_237, %shift_right_logical3A_239 : vector<192x12xi32>
    %add3A_241 = vector.broadcast %mul3A_1 : i32 to vector<192x12xi32>
    %add3A_242 = arith.addi %add3A_241, %iota3A : vector<192x12xi32>
    %jit3A_243 = arith.constant 12 : i32
    %eq3A = arith.constant 0 : i32
    %eq3A_244 = arith.cmpi eq, %jit3A_243, %eq3A : i32
    %jit3A_245 = arith.constant 1 : i32
    %select_n3A = arith.select %eq3A_244, %jit3A_245, %jit3A_243 : i32
    %rem3A = vector.broadcast %select_n3A : i32 to vector<192x12xi32>
    %rem3A_246 = arith.remui %add3A_242, %rem3A : vector<192x12xi32>
    %ne3A = arith.constant 0 : i32
    %ne3A_247 = vector.broadcast %ne3A : i32 to vector<192x12xi32>
    %ne3A_248 = arith.cmpi ne, %rem3A_246, %ne3A_247 : vector<192x12xi32>
    %lt3A = arith.constant 0 : i32
    %lt3A_249 = vector.broadcast %lt3A : i32 to vector<192x12xi32>
    %lt3A_250 = arith.cmpi ult, %rem3A_246, %lt3A_249 : vector<192x12xi32>
    %lt3A_251 = arith.constant 0 : i32
    %lt3A_252 = arith.cmpi ult, %select_n3A, %lt3A_251 : i32
    %ne3A_253 = vector.broadcast %lt3A_252 : i1 to vector<192x12xi1>
    %ne3A_254 = vector.broadcast %ne3A_253 : vector<192x12xi1> to vector<192x12xi1>
    %ne3A_255 = arith.xori %lt3A_250, %ne3A_254 : vector<192x12xi1>
    %and3A = arith.andi %ne3A_255, %ne3A_248 : vector<192x12xi1>
    %add3A_256 = vector.broadcast %select_n3A : i32 to vector<192x12xi32>
    %add3A_257 = arith.addi %rem3A_246, %add3A_256 : vector<192x12xi32>
    %select_n3A_258 = arith.select %and3A, %add3A_257, %rem3A_246 : vector<192x12xi1>, vector<192x12xi32>
    %eq3A_259 = arith.cmpi eq, %iota3A_0, %select_n3A_258 : vector<192x12xi32>
    %jit3A_260 = arith.constant -1 : i32
    %broadcast_in_dim3A_261 = vector.broadcast %jit3A_260 : i32 to vector<192x12xi32>
    %select_n3A_262 = arith.select %eq3A_259, %shift_right_logical3A_240, %broadcast_in_dim3A_261 : vector<192x12xi1>, vector<192x12xi32>
    %reduce_max3A = arith.constant dense<-2147483648> : vector<192xi32>
    %reduce_max3A_263 = vector.multi_reduction <maxsi>, %select_n3A_262, %reduce_max3A [1] : vector<192x12xi32> to vector<192xi32>
    %broadcast_in_dim3A_264 = vector.shape_cast %reduce_max3A_263 : vector<192xi32> to vector<192x1xi32>
    %lt3A_265 = vector.broadcast %broadcast_in_dim3A_264 : vector<192x1xi32> to vector<192x12xi32>
    %lt3A_266 = arith.cmpi slt, %shift_right_logical3A_240, %lt3A_265 : vector<192x12xi32>
    %eq3A_267 = vector.broadcast %broadcast_in_dim3A_264 : vector<192x1xi32> to vector<192x12xi32>
    %eq3A_268 = arith.cmpi eq, %shift_right_logical3A_240, %eq3A_267 : vector<192x12xi32>
    %lt3A_269 = arith.cmpi slt, %iota3A_0, %select_n3A_258 : vector<192x12xi32>
    %and3A_270 = arith.andi %eq3A_268, %lt3A_269 : vector<192x12xi1>
    %or3A_271 = arith.ori %lt3A_266, %and3A_270 : vector<192x12xi1>
    %convert_element_type3A = arith.extui %or3A_271 : vector<192x12xi1> to vector<192x12xi32>
    %reduce_sum3A = arith.constant dense<0> : vector<192xi32>
    %reduce_sum3A_272 = vector.multi_reduction <add>, %convert_element_type3A, %reduce_sum3A [1] : vector<192x12xi32> to vector<192xi32>
    %broadcast_in_dim3A_273 = vector.shape_cast %reduce_sum3A_272 : vector<192xi32> to vector<192x1xi32>
    %ge3A = arith.constant 3 : i32
    %ge3A_274 = vector.broadcast %ge3A : i32 to vector<192x1xi32>
    %ge3A_275 = arith.cmpi sge, %broadcast_in_dim3A_273, %ge3A_274 : vector<192x1xi32>
    %convert_element_type3A_276 = arith.extui %ge3A_275 : vector<192x1xi1> to vector<192x1xi32>
    %convert_element_type3A_277 = arith.sitofp %convert_element_type3A_276 : vector<192x1xi32> to vector<192x1xf32>
    %get3A = arith.constant 0 : index
    %get3A_278 = arith.constant 0 : index
    %get3A_279 = vector.load %arg1[%get3A, %get3A_278] : memref<192x5000xf32, #tpu.memory_space<vmem>>, vector<192x5000xf32>
    %mul3A_280 = vector.broadcast %convert_element_type3A_277 : vector<192x1xf32> to vector<192x5000xf32>
    %mul3A_281 = arith.mulf %get3A_279, %mul3A_280 : vector<192x5000xf32>
    %swap3A = arith.constant 0 : index
    %swap3A_282 = arith.constant 0 : index
    %swap3A_283 = vector.load %arg2[%swap3A, %swap3A_282] : memref<192x5000xf32, #tpu.memory_space<vmem>>, vector<192x5000xf32>
    tpu.vector_store %arg2[%swap3A, %swap3A_282], %mul3A_281 {strides = array<i32>} : memref<192x5000xf32, #tpu.memory_space<vmem>>, vector<192x5000xf32>,
    return
  }
  func.func @transform_0(%arg0: i32) -> (i32, i32) {
    %c0_i32 = arith.constant 0 : i32
    %c0_i32_0 = arith.constant 0 : i32
    return %arg0, %c0_i32 : i32, i32
  }
  func.func @transform_1(%arg0: i32) -> (i32, i32) {
    %c0_i32 = arith.constant 0 : i32
    %c0_i32_0 = arith.constant 0 : i32
    return %arg0, %c0_i32 : i32, i32
  }
}

</mosaic_0001>

<sc_bundles>
// kernel: sparse-core-data-format-call.cloned.1.call-start
scs
called_computation_lowered:
.L_overlay_start_0:
0x0: {  	s2 =	sld [smem:$0x3FD9]  }
0x1: {  	s3 =	sld [smem:$0x3FFE];
	_ =	sdelay $0x1  }
0x2: {  	s1 =	srdreg.scid  }
0x3: {  	s0 =	sand.u32 $0x1, s1  }
0x4: {  	s18 =	sshll.u32 s0, $0xA;
	s2 =	sadd.s32 s3, s2  }
0x5: {  	s2 =	sadd.s32 s2, s18  }
0x6: {  	[smem:$0x3FC7] =	sst s2  }
0x7: {  	_ = 	snop  }
0x8: {  	s2 =	sld [smem:$0x3FD0];
	(tm) =	ssettm $0x1  }
0x9: {  	s19 =	sld [smem:$0x3FFB];
	_ =	sdelay $0x3  }
0xa: {  	_ =	strace s19  }
0xb: {  	s3 =	sld [smem:$0x3FFC];
	_ =	sdelay $0x3  }
0xc: {  	_ =	strace s3  }
0xd: {  	s3 =	sld [smem:$0x3FFD];
	_ =	sdelay $0x3  }
0xe: {  	_ =	strace s3  }
0xf: {  	_ =	strace $0x8FFFFFFF  }
0x10: {  	s20 =	sld [smem:$0x3FDB];
	_ =	sdelay $0x1  }
0x11: {  	s4 =	simm.s32 $_scs_section_size  }
0x12: {  	s5 =	simm.s32 $_size__tile_overlayer_lowered;
	s6 =	simm.s32 $_tile_overlayer_lowered  }
0x13: {  	s23 =	simm.s32 $0x1BFF;
	s22 =	sshll.u32 s6, $0x1;
	s3 =	sadd.s32 s4, s20  }
0x14: {  	s7 =	simm.s32 $0x0;
	s21 =	sshll.u32 s5, $0x1;
	s5 =	sadd.s32 s22, s3  }
0x15: {  	[timem:s7], [sflag:s23] =	dma.local [hbm:s5], s21  }
0x16: {  	_ =	swait.ge [sflag:s23], s21  }
0x17: {  	s4 =	ssub.s32 $0x0, s21;
	[sflag:s23] =	ssyncset.done $0x0  }
0x18: {  	[sflag:s23] =	ssyncadd.s32 s4;
	_ =	sdelay $0x1  }
0x19: {  	s24 =	simm.s32 $0x1B8B  }
0x1a: {  	_ =	swait.ge [sflag:s24], $0x1  }
0x1b: {  	[sflag:s24] =	ssyncset.done $0x0  }
0x1c: {  	s26 =	simm.s32 $0x1B8E;
	s25 =	sld [smem:$0x3FFE];
	[sflag:s24] =	ssyncadd.s32 $0xFFFFFFFF  }
0x1d: {  	s27 =	simm.s32 $execute0_lowered;
	[smem:$0x3FD2] =	sst s26  }
0x1e: {  	s5 =	sshll.u32 s27, $0x1;
	_ =	strace $0x80000046;
	[dreg:$0x1] =	wrdreg $0xFFFFFFFF  }
0x1f: {  	s28 =	simm.s32 $_size_execute0_lowered;
	s3 =	sadd.s32 s3, s5;
	[dreg:$0x0] =	wrdreg $0x0  }
0x20: {  	s5 =	sshll.u32 s28, $0x1;
	[dreg:$0x2] =	wrdreg s3  }
0x21: {  	[dreg:$0x3] =	wrdreg s5  }
0x22: {  	[dreg:$0x4] =	wrdreg $0xC0  }
0x23: {  	_ =	task [dreg:s7], $0x5FFFF  }
0x24: {  	[dreg:$0x1] =	wrdreg $0xFFFFFFFF  }
0x25: {  	[dreg:$0x0] =	wrdreg $0x60  }
0x26: {  	[dreg:$0x2] =	wrdreg s25  }
0x27: {  	[dreg:$0x3] =	wrdreg s2  }
0x28: {  	[dreg:$0x4] =	wrdreg $0x9  }
0x29: {  	_ =	task.clear_ibuf [dreg:s7], $0x5FFFF;
	_ =	strace $0x90000046  }
0x2a: {  	s29 =	simm.s32 $0x9;
	_ =	strace $0x80000048  }
0x2b: {  	_ =	swait.ge [sflag:s29], $0x1  }
0x2c: {  	[sflag:s29] =	ssyncadd.s32 $0xFFFFFFFF  }
0x2d: {  	_ =	strace $0x90000048  }
0x2e: {  	_ =	sfence  }
0x2f: {  	s30 =	sld [smem:$0x0];
	_ =	sdelay $0x2  }
0x30: {  	s31 =	sshll.u32 s1, $0xD;
	s1 =	sshrl.u32 s1, $0x2  }
0x31: {  	s3 =	sand.u32 $0x4000, s31;
	s1 =	sadd.s32 s1, s30  }
0x32: {  	s0 =	sor.u32 s3, s0;
	s1 =	sshll.u32 s1, $0x11  }
0x33: {  	s0 =	sor.u32 s1, s0  }
0x34: {  	s0 =	sadd.s32 $0x8F2B, s0  }
0x35: {  	[sflag:s0] =	ssyncadd.remote.s32 $0x1  }
0x36: {  	_ =	sfence.sel $0xFFFF  }
0x37: {  	[dreg:$0x0] =	wrdreg $0xFFFFFFFF;
	(pc) =	sbr.abs _section_cstart, $3  }
0x38: {  	[dreg:$0x1] =	wrdreg $0xFFFFFFFF  }
0x39: {  	_ =	task.clear_ibuf [dreg:s7], $0x2FFFF;
	_ =	strace $0x9FFFFFFF  }
0x3a: {  	(tm) =	ssettm $0x7FFFFFFF  }
0x3b: {  	_ =	shalt  }
tec
execute0_lowered:
.L_overlay_start_1:
0x0: {  	(tag) =	ssettag $0x1  }
0x1: {  	s4 =	rddreg [dreg:$0x0]  }
0x2: {  	s0 =	stileid.u32;
	s2 =	rddreg [dreg:$0x1]  }
0x3: {  	s7 =	srdreg.scid;
	s8 =	simm.s32 $0x2;
	s17 =	simm.s32 $0x0  }
0x4: {  	s9 =	simm.s32 $0x2000;
	s19 =	simm.s32 $0x0;
	s18 =	simm.s32 $0x0  }
0x5: {  	s10 =	simm.s32 $0x0;
	s11 =	simm.s32 $0x0;
	s1 =	sshll.u32 s0, $0x7  }
0x6: {  	s12 =	simm.s32 $0x0;
	s13 =	simm.s32 $0x0;
	s3 =	sand.u32 $0x380, s1  }
0x7: {  	s16 =	simm.s32 $0x0;
	s7 =	sshll.u32 s7, $0x4;
	s5 =	ssub.s32 $0x400, s3  }
0x8: {  	s4 =	sadd.s32 $0x780400, s4;
	s1 =	rddreg [dreg:$0x2];
	s6 =	sand.u32 $0x380, s5  }
0x9: {  	s7 =	sand.u32 $0x10, s7;
	p0 =	sne.s32 s6, $0x0;
	s6 =	simm.s32 $0x1  }
.Ltmp0:
0xa: {  	s5 =	sshrl.u32 s5, $0xA;
	s6 =	simm.s32 @!p0 $0x0;
	(pc) =	sbr.rel .LBB1_1-.Ltmp0, $4  }
0xb: {  	_ =	strace $0x80000047;
	s7 =	sor.u32 s0, s7;
	s6 =	sadd.s32 s6, s5  }
0xc: {  	s7 =	sshrl.u32 s7, $0x3;
	s5 =	simm.s32 $0x1;
	s6 =	smul.u32 $0x78, s6  }
0xd: {  	s15 =	smov.u32 s3;
	s14 =	smov.u32 s7;
	[sflag:s5] =	ssyncpa.u1 $0x0  }
0xe: {  	p0 =	por $0x0, $0x0;
	[sflag:s8] =	ssyncpa.u1 $0x0;
	s8 =	sor.u32 $0x1, s6  }
.LBB1_4:
0xf: {  	s25 =	sshll.u32 s10, $0xA  }
0x10: {  	s26 =	sshll.u32 s12, $0x3;
	s24 =	sshra.s32 s24, $0x2;
	p1 =	sgt.s32 s11, $0xB  }
0x11: {  	s30 =	sshra.s32 s11, $0x1F;
	s27 =	smov.u32 s10;
	s31 =	sshra.s32 s10, $0x1F  }
0x12: {  	s25 =	sand.u32 $0xFFFFE000, s25;
	s26 =	sand.u32 $0xFFFFFC00, s26;
	s23 =	sadd.s32 s24, s23  }
0x13: {  	s29 =	sadd.s32 s26, s25;
	s25 =	smov.u32 s11;
	s26 =	sand.u32 s30, s11  }
0x14: {  	s24 =	sshrl.u32 s29, $0xA;
	s25 =	simm.s32 @!p1 $0xB;
	p1 =	sgt.s32 s10, $0x1308  }
0x15: {  	s29 =	sshra.s32 s12, $0x1F;
	s25 =	ssub.s32 s25, s26;
	s27 =	simm.s32 @!p1 $0x1308  }
0x16: {  	v5 =	vld [tilespmem:s21+$0xFFFFFFD0];
	[tilespmem:s22+$0x2040 ss:$0x81] =	vst.msk $0xffff, v4;
	p1 =	sgt.s32 s12, $0x380;
	s26 =	smov.u32 s12;
	s29 =	sand.u32 s29, s12  }
0x17: {  	v58 =	vld [tilespmem:s21+$0xFFFFFFE0];
	s30 =	smulhi.u32 $0x1A36E3, s24;
	s28 =	sadd.s32 $0xFFFFFFF5, s25;
	s26 =	simm.s32 @!p1 $0x380  }
0x18: {  	[tilespmem:s22+$0x2850 ss:$0x81] =	vst.msk $0xffff, v3;
	v59 =	vld [tilespmem:s21+$0xFFFFFFF0];
	s25 =	ssub.s32 $0xC, s25;
	p1 =	sgt.s32 s28, $0x0;
	s26 =	ssub.s32 s26, s29  }
0x19: {  	[tilespmem:s22+$0x3060 ss:$0x81] =	vst.msk $0xffff, v2;
	v60 =	vld [tilespmem:s21+$0x0];
	s28 =	sand.u32 s31, s10;
	s30 =	sshrl.u32 s30, $0x1;
	s29 =	sand.u32 $0x78, s12  }
0x1a: {  	[tilespmem:s22+$0x0 ss:$0x81] =	vst.msk $0xffff, v1;
	v61 =	vld [tilespmem:s21+$0x10];
	s27 =	ssub.s32 s27, s28;
	s31 =	sadd.s32 $0xFFFFFC80, s26;
	s25 =	simm.s32 @p1 $0x0  }
0x1b: {  	v62 =	vld [tilespmem:s21+$0x20];
	[tilespmem:s23+$0x3870 ss:$0x81] =	vst.msk $0xffff, v0;
	s22 =	ssub.s32 $0x400, s26;
	s26 =	smul.u32 $0x1388, s30;
	s30 =	sshll.u32 s10, $0x7  }
0x1c: {  	v63 =	vld [tilespmem:s21+$0xFFFFFFC0];
	[tilespmem:s23+$0x810 ss:$0x81] =	vst.msk $0xffff, v5;
	p1 =	sgt.s32 s31, $0x7F;
	s31 =	sadd.s32 $0xFFFFECF8, s27;
	s21 =	sand.u32 $0x380, s30  }
0x1d: {  	[tilespmem:s23+$0x1020 ss:$0x81] =	vst.msk $0xffff, v58;
	s22 =	simm.s32 @p1 $0x0;
	p1 =	sgt.s32 s31, $0x7F;
	s31 =	smul.u32 $0x9C400, s11  }
0x1e: {  	[tilespmem:s23+$0x1830 ss:$0x81] =	vst.msk $0xffff, v59;
	s27 =	ssub.s32 $0x1388, s27;
	s21 =	sor.u32 s29, s21;
	s22 =	smul.u32 s22, s25  }
0x1f: {  	[tilespmem:s23+$0x2040 ss:$0x81] =	vst.msk $0xffff, v60;
	s24 =	ssub.s32 s24, s26;
	s29 =	sand.u32 $0x7, s12;
	s27 =	simm.s32 @p1 $0x0  }
0x20: {  	[tilespmem:s23+$0x2850 ss:$0x81] =	vst.msk $0xffff, v61;
	s21 =	sshrl.u32 s21, $0x3;
	s25 =	sadd.s32 s2, s31;
	s22 =	smul.u32 s27, s22  }
0x21: {  	[tilespmem:s23+$0x3060 ss:$0x81] =	vst.msk $0xffff, v62;
	s24 =	sshll.u32 s24, $0x7;
	s30 =	sshll.u32 s29, $0x12;
	s21 =	sadd.s32 s21, s25  }
0x22: {  	[tilespmem:s23+$0x0 ss:$0x81] =	vst.msk $0xffff, v63;
	s31 =	sor.u32 $0x400, s30;
	s21 =	sadd.s32 s24, s21;
	s22 =	sand.u32 $0x3FFFFFFF, s22  }
0x23: {  	[hbm4b:s21+s31] =	stream.strided.scatter [tilespmem:s20], [sflag:$0x2], s22, s9, s31, $0x20;
	[tilespmem:$0x10100] =	vst v63  }
.LBB1_5:
0x24: {  	p1 =	slt.u32 s16, $0x2  }
0x25: {  	p2 =	sgt.s32 @!p1 s19, $0xB  }
0x26: {  	s20 =	smov.u32 s19;
	s21 =	sshra.s32 @!p1 s19, $0x1F;
	p2 =	por !p2, p1  }
0x27: {  	s19 =	sand.u32 @!p1 s21, s19;
	s20 =	simm.s32 @p2 $0xB  }
0x28: {  	p3 =	sgt.s32 @!p1 s18, $0x380;
	s19 =	ssub.s32 @!p1 s20, s19  }
0x29: {  	p3 =	por !p3, p1;
	s21 =	sshra.s32 @!p1 s18, $0x1F;
	s20 =	sadd.s32 @!p1 $0xFFFFFFF5, s19  }
0x2a: {  	s19 =	ssub.s32 @!p1 $0xC, s19;
	p2 =	sgt.s32 @!p1 s20, $0x0;
	s20 =	smov.u32 s18  }
0x2b: {  	s18 =	sand.u32 @!p1 s21, s18;
	s20 =	simm.s32 @p3 $0x380;
	p3 =	sgt.s32 @!p1 s17, $0x1308  }
0x2c: {  	s21 =	smov.u32 s17;
	p2 =	por !p2, p1;
	p3 =	por !p3, p1  }
0x2d: {  	s18 =	ssub.s32 @!p1 s20, s18;
	s20 =	sshra.s32 @!p1 s17, $0x1F;
	s19 =	simm.s32 @!p2 $0x0  }
0x2e: {  	s21 =	simm.s32 @p3 $0x1308;
	s17 =	sand.u32 @!p1 s20, s17;
	s20 =	sadd.s32 @!p1 $0xFFFFFC80, s18  }
0x2f: {  	s18 =	ssub.s32 @!p1 $0x400, s18;
	s17 =	ssub.s32 @!p1 s21, s17;
	p2 =	sgt.s32 @!p1 s20, $0x7F  }
0x30: {  	s21 =	smov.u32 s14;
	s20 =	sadd.s32 @!p1 $0xFFFFECF8, s17;
	p2 =	por !p2, p1  }
0x31: {  	s17 =	ssub.s32 @!p1 $0x1388, s17;
	p3 =	sgt.s32 @!p1 s20, $0x7F;
	s18 =	simm.s32 @!p2 $0x0  }
0x32: {  	s20 =	sadd.s32 $0x80, s13;
	p2 =	por !p3, p1;
	s18 =	smul.u32 @!p1 s18, s19  }
0x33: {  	s19 =	sadd.s32 $0x4, s14;
	s17 =	simm.s32 @!p2 $0x0;
	p2 =	sgt.s32 s20, $0x1387  }
0x34: {  	s22 =	smov.u32 s15;
	s21 =	smov.u32 @p2 s19  }
0x35: {  	s17 =	smul.u32 @!p1 s17, s18;
	s18 =	sadd.s32 $0x400, s15;
	p3 =	sgt.s32 s21, $0xB  }
0x36: {  	p0 =	por !p0, !p0;
	s23 =	simm.s32 @!p1 $0x2;
	s22 =	smov.u32 @p3 s18  }
0x37: {  	s20 =	simm.s32 @p2 $0x0;
	s19 =	smov.u32 s11;
	p2 =	sgt.s32 s22, $0x3FF  }
0x38: {  	s11 =	smov.u32 s14;
	s22 =	smov.u32 @p2 s3;
	p2 =	sne.s32 s16, s8  }
.Ltmp1:
0x39: {  	s17 =	sand.u32 @!p1 $0x3FFFFFFF, s17;
	s21 =	smov.u32 @p3 s7;
	(pc) =	sbr.rel @!p2 .LBB1_6-.Ltmp1, $4  }
0x3a: {  	s18 =	smov.u32 s12;
	s12 =	smov.u32 s15;
	_ =	swait.ge @!p1 [sflag:s23], s17  }
0x3b: {  	s24 =	ssub.s32 @!p1 $0x0, s17;
	s17 =	smov.u32 s10;
	s10 =	smov.u32 s13  }
0x3c: {  	s13 =	smov.u32 s20;
	s14 =	smov.u32 s21;
	[sflag:s23] =	ssyncset.done @!p1 $0x0  }
0x3d: {  	s16 =	sadd.s32 $0x1, s16;
	[sflag:s23] =	ssyncadd.s32 @!p1 s24;
	s15 =	smov.u32 s22  }
.LBB1_1:
0x3e: {  	p1 =	sge.u32 s16, s6  }
0x3f: {  	s20 =	sshrl.u32 @!p1 s14, $0x3  }
0x40: {  	s21 =	sshll.u32 @!p1 s13, $0x3;
	s22 =	sshll.u32 @!p1 s14, $0x7;
	s20 =	smul.u32 @!p1 $0xA000, s20  }
0x41: {  	s23 =	sand.u32 @!p1 $0x7F, s13;
	s21 =	sand.u32 @!p1 $0xFFFFFC00, s21;
	s22 =	sand.u32 @!p1 $0x380, s22  }
0x42: {  	s20 =	sadd.s32 @!p1 s20, s21;
	s21 =	sor.u32 @!p1 s23, s22  }
0x43: {  	s21 =	sor.u32 @!p1 s20, s21  }
0x44: {  	s22 =	smulhi.u32 @!p1 $0xCCCCCCCD, s21  }
0x45: {  	s20 =	smulhi.u32 @!p1 $0xCCCCCCCD, s20  }
0x46: {  	s22 =	sshrl.u32 @!p1 s22, $0xC  }
0x47: {  	s31 =	sadd.s32 $0xFFFFFFFF, s16;
	s20 =	sshrl.u32 @!p1 s20, $0xC;
	s22 =	smul.u32 @!p1 $0x1400, s22  }
0x48: {  	s24 =	smul.u32 @!p1 $0x2800, s15;
	s23 =	sxor.u32 @!p1 $0xFFFFFFFF, s16;
	s20 =	sand.u32 @!p1 $0xF, s20  }
0x49: {  	s23 =	sshll.u32 @!p1 s23, $0xE;
	s20 =	smul.u32 @!p1 $0x280, s20;
	s21 =	ssub.s32 @!p1 s21, s22  }
0x4a: {  	s22 =	sand.u32 @!p1 $0x4000, s23;
	s23 =	sadd.s32 @!p1 s4, s24;
	s24 =	sand.u32 @!p1 $0x7, s21  }
0x4b: {  	s21 =	sshrl.u32 @!p1 s21, $0x3;
	s20 =	sadd.s32 @!p1 s20, s23;
	s23 =	sshll.u32 @!p1 s24, $0x12  }
0x4c: {  	s20 =	sadd.s32 @!p1 s21, s20;
	s21 =	sor.u32 @!p1 $0x80, s23;
	s23 =	simm.s32 @!p1 $0x14000  }
0x4d: {  	[tilespmem:s22], [sflag:$0x1] =	stream.strided.gather @!p1 [hbm4b:s20+s21], $0x4000, s23, s21, $0x38;
	[tilespmem:$0x10100] =	vst v63  }
0x4e: {  	p1 =	sge.u32 s31, s6  }
.Ltmp2:
0x4f: {  	_ = 	snop;
	(pc) =	sbr.rel @p1 .LBB1_5-.Ltmp2, $1  }
0x50: {  	_ =	sdelay $0x3  }
0x51: {  	s20 =	simm.s32 $0x1  }
0x52: {  	_ =	swait.ge [sflag:s5], $0x4000;
	s20 =	simm.s32 @!p0 $0x0  }
0x53: {  	[sflag:s5] =	ssyncset.done $0x0;
	s21 =	sshll.u32 s20, $0xE  }
0x54: {  	[sflag:s5] =	ssyncadd.s32 $0xFFFFC000;
	s21 =	sor.u32 $0x40, s21  }
0x55: {  	s20 =	smul.u32 $0x10200, s20;
	v0 =	vld [tilespmem:s21+$0x30]  }
0x56: {  	v1 =	vld [tilespmem:s21+$0xFFFFFFD0]  }
0x57: {  	s20 =	sshrl.u32 s20, $0x2;
	v5 =	vld [tilespmem:s21+$0xFFFFFFE0]  }
0x58: {  	v6 =	vld [tilespmem:s21+$0xFFFFFFF0];
	s23 =	sor.u32 $0x8000, s20  }
0x59: {  	s31 =	sand.u32 $0x1, s16;
	v4 =	vld [tilespmem:s21+$0x0];
	s22 =	sadd.s32 $0x0, s23  }
0x5a: {  	v3 =	vld [tilespmem:s21+$0x10];
	s20 =	smul.u32 $0x10200, s31;
	[tilespmem:s22+$0x3870 ss:$0x81] =	vst.msk $0xffff, v0  }
0x5b: {  	v2 =	vld [tilespmem:s21+$0x20];
	[tilespmem:s22+$0x810 ss:$0x81] =	vst.msk $0xffff, v1  }
0x5c: {  	s20 =	sshrl.u32 s20, $0x2;
	v1 =	vld [tilespmem:s21+$0xFFFFFFC0];
	[tilespmem:s22+$0x1020 ss:$0x81] =	vst.msk $0xffff, v5;
	s21 =	sadd.s32 $0x80, s21  }
0x5d: {  	s24 =	simm.s32 $0x4;
	s25 =	simm.s32 $0x8;
	s20 =	sor.u32 $0x8000, s20;
	[tilespmem:s22+$0x1830 ss:$0x81] =	vst.msk $0xffff, v6;
	v0 =	vld [tilespmem:s21+$0x30]  }
.LBB1_3:
0x5e: {  	p1 =	sne.s32 s25, $0x1FC;
	v5 =	vld [tilespmem:s21+$0xFFFFFFD0];
	[tilespmem:s22+$0x2040 ss:$0x81] =	vst.msk $0xffff, v4  }
0x5f: {  	v6 =	vld [tilespmem:s21+$0xFFFFFFE0];
	[tilespmem:s22+$0x2850 ss:$0x81] =	vst.msk $0xffff, v3  }
0x60: {  	s26 =	sshra.s32 s24, $0x2;
	s24 =	smov.u32 s25;
	v7 =	vld [tilespmem:s21+$0xFFFFFFF0];
	[tilespmem:s22+$0x3060 ss:$0x81] =	vst.msk $0xffff, v2  }
.Ltmp3:
0x61: {  	v4 =	vld [tilespmem:s21+$0x0];
	[tilespmem:s22+$0x0 ss:$0x81] =	vst.msk $0xffff, v1;
	s22 =	sadd.s32 s26, s23;
	(pc) =	sbr.rel @p1 .LBB1_3-.Ltmp3, $4  }
0x62: {  	v3 =	vld [tilespmem:s21+$0x10];
	[tilespmem:s22+$0x3870 ss:$0x81] =	vst.msk $0xffff, v0  }
0x63: {  	[tilespmem:s22+$0x810 ss:$0x81] =	vst.msk $0xffff, v5;
	v2 =	vld [tilespmem:s21+$0x20]  }
0x64: {  	v1 =	vld [tilespmem:s21+$0xFFFFFFC0];
	[tilespmem:s22+$0x1020 ss:$0x81] =	vst.msk $0xffff, v6;
	s21 =	sadd.s32 $0x80, s21  }
0x65: {  	s25 =	sadd.s32 $0x4, s25;
	v0 =	vld [tilespmem:s21+$0x30];
	[tilespmem:s22+$0x1830 ss:$0x81] =	vst.msk $0xffff, v7  }
.Ltmp4:
0x66: {  	_ = 	snop;
	(pc) =	sbr.rel .LBB1_4-.Ltmp4, $1  }
0x67: {  	_ =	sdelay $0x3  }
.LBB1_6:
0x68: {  	_ =	sfence.sel $0x180000  }
0x69: {  	s2 =	simm.s32 $0x1;
	[bflag:$0x0] =	sbarrier.arrive $0xFFFF  }
0x6a: {  	s31 =	simm.s32 $0x2;
	[sflag:s2] =	ssyncpa.u1 $0x1  }
0x6b: {  	[sflag:s31] =	ssyncpa.u1 $0x1  }
0x6c: {  	p0 =	sne.s32 s0, $0x0;
	_ =	strace $0x90000047  }
0x6d: {  	s0 =	sadd.s32 @!p0 $0x100000, s1;
	[bflag:$0x2] =	sbarrier.arrive $0xFFFF  }
0x6e: {  	[sflag:s0] =	ssyncadd.tile.s32 @!p0 $0x1;
	_ =	shalt  }
.Lfunc_end1:
_tile_overlayer_lowered:
.L_overlay_start_2:
0x6f: {  	(tag) =	ssettag $0x2  }
0x70: {  	s0 =	rddreg [dreg:$0x0];
	s2 =	stileid.u32  }
0x71: {  	s1 =	rddreg [dreg:$0x1];
	p0 =	sne.s32 s2, $0x0  }
0x72: {  	s3 =	rddreg [dreg:$0x2];
	[bflag:$0x3] =	sbarrier.arrive $0xFFFF;
	s2 =	simm.s32 @!p0 $0x1C01  }
0x73: {  	[timem:s3], [sflag:s2] =	dma.local @!p0 [hbm:s0], s1  }
0x74: {  	s0 =	simm.s32 @!p0 $0x1  }
0x75: {  	_ =	swait.ge @!p0 [sflag:s0], s1  }
0x76: {  	s1 =	ssub.s32 @!p0 $0x0, s1;
	[sflag:s0] =	ssyncset.done @!p0 $0x0  }
0x77: {  	[sflag:s0] =	ssyncadd.s32 @!p0 s1  }
0x78: {  	[bflag:$0x3] =	sbarrier.arrive $0xFFFF  }
0x79: {  	_ =	shalt  }

</sc_bundles>
